<compile_context>
chip_gen: v7x
topology: tpu7x:2x2x1
jax: 0.10.2.dev20260603
libtpu: 0.0.44.dev20260713+nightly
codegen_flags: <defaults>
</compile_context>

<pallas_src>
import functools

import jax
import jax.numpy as jnp
from jax import lax
from jax.experimental import pallas as pl
from jax.experimental.pallas import tpu as pltpu
from jax.experimental.pallas import tpu_sc as plsc

_R, _N, _D, _H, _K = 8, 10000, 128, 128, 64
_RK = _R * _K
_NW = 32
_BPW = _RK // _NW
_NT = 2
_TN = _N // _NT


@functools.lru_cache(maxsize=1)
def _sc_gather_fn():
    mesh = plsc.VectorSubcoreMesh(core_axis_name="c", subcore_axis_name="s")

    @functools.partial(
        pl.kernel,
        mesh=mesh,
        out_type=jax.ShapeDtypeStruct((_RK, _D), jnp.float32),
        scratch_types=[
            pltpu.VMEM((_BPW,), jnp.int32),
            pltpu.VMEM((_BPW, _D), jnp.float32),
            pltpu.SemaphoreType.DMA,
        ],
    )
    def gather(table_hbm, idx_hbm, out_hbm, idx_v, rows_v, sem):
        wid = lax.axis_index("s") * 2 + lax.axis_index("c")
        base = wid * _BPW
        r = base // _K
        pltpu.sync_copy(idx_hbm.at[pl.ds(base, _BPW)], idx_v)
        idx_v[...] = idx_v[...] + r * _N
        pltpu.async_copy(table_hbm.at[idx_v], rows_v, sem).wait()
        pltpu.sync_copy(rows_v, out_hbm.at[pl.ds(base, _BPW)])

    return gather


def _sc_gather(table, idx):
    return _sc_gather_fn()(table, idx)


def _actor_body(xc_ref, wa_ref, ba_ref, lng_ref, lnb_ref, hw_ref, hb_ref,
                logits_ref):
    h = jnp.maximum(
        jnp.dot(xc_ref[...], wa_ref[...], preferred_element_type=jnp.float32)
        + ba_ref[...], 0.0)
    mu = jnp.mean(h, axis=1, keepdims=True)
    var = jnp.mean((h - mu) ** 2, axis=1, keepdims=True)
    hn = (h - mu) / jnp.sqrt(var + 1e-5) * lng_ref[...] + lnb_ref[...]
    logits_ref[...] = jnp.sum(hn * hw_ref[...], axis=1, keepdims=True) + hb_ref[0, 0]


def _body(x_ref, wc_ref, bc_ref, aw_ref, ab_ref, c1w_ref, c1b_ref,
          c2w_ref, c2b_ref, value_ref, d_ref, acc_ref):
    t = pl.program_id(1)
    hc = jnp.maximum(
        jnp.dot(x_ref[0], wc_ref[...], preferred_element_type=jnp.float32)
        + bc_ref[...], 0.0)
    s = jnp.sum(hc * aw_ref[...], axis=1, keepdims=True) + ab_ref[0, 0]
    e = jnp.exp(s)
    d_t = jnp.sum(e, keepdims=True)
    acc_t = jnp.sum(e * hc, axis=0, keepdims=True)

    @pl.when(t == 0)
    def _init():
        d_ref[...] = d_t
        acc_ref[...] = acc_t

    @pl.when(t > 0)
    def _accum():
        d_ref[...] = d_ref[...] + d_t
        acc_ref[...] = acc_ref[...] + acc_t

    @pl.when(t == _NT - 1)
    def _finish():
        pooled = acc_ref[...] / d_ref[...]
        ph = jnp.maximum(
            jnp.dot(pooled, c1w_ref[...], preferred_element_type=jnp.float32)
            + c1b_ref[...], 0.0)
        value_ref[0] = jnp.sum(ph * c2w_ref[...], axis=1, keepdims=True) + c2b_ref[...]


def kernel(x, node_mask, edge_index, edge_mask, cand_idx, cand_mask,
           Wa, ba, Wc, bc, ln_g, ln_b, head_w, head_b, attn_w, attn_b,
           c1_w, c1_b, c2_w, c2_b):
    R, N, D = x.shape
    H = Wa.shape[1]
    K = cand_idx.shape[1]

    row = lambda a: a.reshape(1, H)
    scal = lambda a: a.reshape(1, 1)
    full = lambda r, t: (0, 0)

    xc = _sc_gather(x.reshape(R * N, D), cand_idx.reshape(R * K))

    values3 = pl.pallas_call(
        _body,
        grid=(R, _NT),
        in_specs=[
            pl.BlockSpec((1, _TN, D), lambda r, t: (r, t, 0)),
            pl.BlockSpec((D, H), full),
            pl.BlockSpec((1, H), full),
            pl.BlockSpec((1, H), full),
            pl.BlockSpec((1, 1), full),
            pl.BlockSpec((H, H), full),
            pl.BlockSpec((1, H), full),
            pl.BlockSpec((1, H), full),
            pl.BlockSpec((1, 1), full),
        ],
        out_specs=pl.BlockSpec((1, 1, 1), lambda r, t: (r, 0, 0)),
        out_shape=jax.ShapeDtypeStruct((R, 1, 1), jnp.float32),
        scratch_shapes=[
            pltpu.VMEM((1, 1), jnp.float32),
            pltpu.VMEM((1, H), jnp.float32),
        ],
        compiler_params=pltpu.CompilerParams(
            dimension_semantics=("arbitrary", "arbitrary")),
    )(x, Wc, row(bc), attn_w.reshape(1, H), scal(attn_b),
      c1_w, row(c1_b), c2_w.reshape(1, H), scal(c2_b))

    logits2 = pl.pallas_call(
        _actor_body,
        out_shape=jax.ShapeDtypeStruct((R * K, 1), jnp.float32),
    )(xc, Wa, row(ba), row(ln_g), row(ln_b), head_w.reshape(1, H), scal(head_b))

    return logits2[:, 0].reshape(R, K), values3[:, 0, 0]

# --- scband reference (transcript-rebuilt; emitter-appended) ---
"""Pipeline reference for scband-ego-actor-critic-48481590837628 (READ-ONLY COPY).

The authoritative reference and input builder live on the scoring server;
editing this copy changes nothing except your own understanding.
"""

import jax, jax.numpy as jnp
import numpy as np

R, N, D, H, K, E = 8, 10000, 128, 128, 64, 160000


def setup_inputs(seed: int = 0):
    key = jax.random.key(seed)
    ks = jax.random.split(key, 12)
    x = jax.random.normal(ks[0], (R, N, D), dtype=jnp.float32)
    node_mask = jnp.ones((R, N), dtype=bool)
    edge_index = jax.random.randint(ks[1], (R, 2, E), 0, N, dtype=jnp.int32)
    edge_mask = jnp.ones((R, E), dtype=bool)
    cand_idx = jax.random.randint(ks[2], (R, K), 0, N, dtype=jnp.int32)
    cand_mask = jnp.ones((R, K), dtype=bool)
    Wa = jax.random.normal(ks[3], (D, H), dtype=jnp.float32) * 0.05
    ba = jnp.zeros((H,), dtype=jnp.float32)
    Wc = jax.random.normal(ks[4], (D, H), dtype=jnp.float32) * 0.05
    bc = jnp.zeros((H,), dtype=jnp.float32)
    ln_g = jnp.ones((H,), dtype=jnp.float32)
    ln_b = jnp.zeros((H,), dtype=jnp.float32)
    head_w = jax.random.normal(ks[5], (H, 1), dtype=jnp.float32) * 0.05
    head_b = jnp.zeros((1,), dtype=jnp.float32)
    attn_w = jax.random.normal(ks[6], (H, 1), dtype=jnp.float32) * 0.05
    attn_b = jnp.zeros((1,), dtype=jnp.float32)
    c1_w = jax.random.normal(ks[7], (H, H), dtype=jnp.float32) * 0.05
    c1_b = jnp.zeros((H,), dtype=jnp.float32)
    c2_w = jax.random.normal(ks[8], (H, 1), dtype=jnp.float32) * 0.05
    c2_b = jnp.zeros((1,), dtype=jnp.float32)
    return {"x": x, "node_mask": node_mask, "edge_index": edge_index, "edge_mask": edge_mask,
            "cand_idx": cand_idx, "cand_mask": cand_mask,
            "Wa": Wa, "ba": ba, "Wc": Wc, "bc": bc, "ln_g": ln_g, "ln_b": ln_b,
            "head_w": head_w, "head_b": head_b, "attn_w": attn_w, "attn_b": attn_b,
            "c1_w": c1_w, "c1_b": c1_b, "c2_w": c2_w, "c2_b": c2_b}


def _ln(h, g, b):
    m = h.mean(-1, keepdims=True)
    v = ((h - m) ** 2).mean(-1, keepdims=True)
    return (h - m) / jnp.sqrt(v + 1e-5) * g + b


def reference(x, node_mask, edge_index, edge_mask, cand_idx, cand_mask,
              Wa, ba, Wc, bc, ln_g, ln_b, head_w, head_b, attn_w, attn_b,
              c1_w, c1_b, c2_w, c2_b):
    logits = []
    values = []
    for i in range(x.shape[0]):
        # actor branch on 1-hop pruned graph (ego node 0 + candidate task nodes)
        x_cand = jnp.take(x[i], cand_idx[i], axis=0)
        h = jax.nn.relu(x_cand @ Wa + ba)  # dummy backbone encoder (edges unused)
        hn = _ln(h, ln_g, ln_b)
        lg = (hn @ head_w + head_b)[:, 0]
        lg_pad = jnp.where(cand_mask[i], lg, jnp.float32(-1e9))
        logits.append(lg_pad)
        # critic branch on full remapped graph with joint_attn aggregation
        xf = x[i]
        hc = jax.nn.relu(xf @ Wc + bc)
        s = (hc @ attn_w + attn_b)[:, 0]
        s = jnp.where(node_mask[i], s, jnp.float32(-1e9))
        w = jax.nn.softmax(s)
        pooled = (w[:, None] * hc).sum(0)
        v = (jax.nn.relu(pooled @ c1_w + c1_b) @ c2_w + c2_b)[0]
        values.append(v)
    return jnp.stack(logits), jnp.stack(values)

if __name__ == "__main__":
    import jax
    _d = setup_inputs()
    print(jax.jit(kernel)(*tuple(_d.values())))

</pallas_src>

<mosaic_0001>
#map = affine_map<(d0, d1) -> (0, 0)>
#map1 = affine_map<(d0, d1) -> (0)>
module attributes {stable_mosaic.version = 14 : i64} {
  func.func @gather(%arg0: i32, %arg1: i32, %arg2: memref<80000x128xf32, #tpu.memory_space<hbm>>, %arg3: memref<512xi32, #tpu.memory_space<hbm>>, %arg4: memref<512x128xf32, #tpu.memory_space<hbm>>, %arg5: memref<16xi32, #tpu.memory_space<vmem>>, %arg6: memref<16x128xf32, #tpu.memory_space<vmem>>, %arg7: memref<!tpu.dma_semaphore, #tpu.memory_space<semaphore_mem>>) attributes {dimension_semantics = [#tpu.dimension_semantics<core_parallel>, #tpu.dimension_semantics<subcore_parallel>], iteration_bounds = array<i64: 2, 16>, scalar_prefetch = 0 : i64, scratch_operands = 3 : i64, tpu.core_type = #tpu.core_type<sc_vector_subcore>, window_params = [{transform_indices = #map}, {transform_indices = #map1}, {transform_indices = #map}]} {
    %mul3A = arith.constant 2 : i32
    %mul3A_0 = arith.muli %arg1, %mul3A : i32
    %add3A = arith.addi %mul3A_0, %arg0 : i32
    %mul3A_1 = arith.constant 16 : i32
    %mul3A_2 = arith.muli %add3A, %mul3A_1 : i32
    %jit3A = arith.constant 64 : i32
    %div3A = arith.divsi %mul3A_2, %jit3A : i32
    %sign3A = arith.constant 0 : i32
    %sign3A_3 = arith.cmpi sgt, %mul3A_2, %sign3A : i32
    %sign3A_4 = arith.extui %sign3A_3 : i1 to i32
    %sign3A_5 = arith.constant 0 : i32
    %sign3A_6 = arith.cmpi slt, %mul3A_2, %sign3A_5 : i32
    %sign3A_7 = arith.extui %sign3A_6 : i1 to i32
    %sign3A_8 = arith.subi %sign3A_4, %sign3A_7 : i32
    %sign3A_9 = arith.constant 0 : i32
    %sign3A_10 = arith.cmpi sgt, %jit3A, %sign3A_9 : i32
    %sign3A_11 = arith.extui %sign3A_10 : i1 to i32
    %sign3A_12 = arith.constant 0 : i32
    %sign3A_13 = arith.cmpi slt, %jit3A, %sign3A_12 : i32
    %sign3A_14 = arith.extui %sign3A_13 : i1 to i32
    %sign3A_15 = arith.subi %sign3A_11, %sign3A_14 : i32
    %ne3A = arith.cmpi ne, %sign3A_8, %sign3A_15 : i32
    %rem3A = arith.remsi %mul3A_2, %jit3A : i32
    %ne3A_16 = arith.constant 0 : i32
    %ne3A_17 = arith.cmpi ne, %rem3A, %ne3A_16 : i32
    %and3A = arith.andi %ne3A, %ne3A_17 : i1
    %sub3A = arith.constant 1 : i32
    %sub3A_18 = arith.subi %div3A, %sub3A : i32
    %select_n3A = arith.select %and3A, %sub3A_18, %div3A : i32
    "tpu.region"() ({
      %run_scoped3A = tpu.sem_alloc : memref<!tpu.dma_semaphore, #tpu.memory_space<semaphore_mem>>
      %dma_start3A_32 = tpu.memref_slice %arg3[%mul3A_2] : memref<512xi32, #tpu.memory_space<hbm>> -> memref<16xi32, #tpu.memory_space<hbm>>
      %dma_start3A_33 = tpu.memref_slice %arg3[%mul3A_2] : memref<512xi32, #tpu.memory_space<hbm>> -> memref<16xi32, #tpu.memory_space<hbm>>
      tpu.enqueue_dma source(%dma_start3A_33 : memref<16xi32, #tpu.memory_space<hbm>>) target(%arg5 : memref<16xi32, #tpu.memory_space<vmem>>) target_semaphore(%run_scoped3A : memref<!tpu.dma_semaphore, #tpu.memory_space<semaphore_mem>>)
      %dma_wait3A_34 = tpu.memref_slice %arg3[%mul3A_2] : memref<512xi32, #tpu.memory_space<hbm>> -> memref<16xi32, #tpu.memory_space<hbm>>
      %dma_wait3A_35 = tpu.memref_slice %arg3[%mul3A_2] : memref<512xi32, #tpu.memory_space<hbm>> -> memref<16xi32, #tpu.memory_space<hbm>>
      tpu.wait_dma2 semaphore(%run_scoped3A : memref<!tpu.dma_semaphore, #tpu.memory_space<semaphore_mem>>) src(%dma_wait3A_35 : memref<16xi32, #tpu.memory_space<hbm>>) dst(%arg5 : memref<16xi32, #tpu.memory_space<vmem>>)
      tpu.yield
    }) : () -> ()
    %get3A = arith.constant 0 : index
    %get3A_19 = tpu.vector_load %arg5[%get3A] {strides = array<i32>} : memref<16xi32, #tpu.memory_space<vmem>>, vector<16xi32>,
    %get3A_20 = vector.shape_cast %get3A_19 : vector<16xi32> to vector<16xi32>
    %mul3A_21 = arith.constant 10000 : i32
    %mul3A_22 = arith.muli %select_n3A, %mul3A_21 : i32
    %add3A_23 = vector.broadcast %mul3A_22 : i32 to vector<16xi32>
    %add3A_24 = arith.addi %get3A_20, %add3A_23 : vector<16xi32>
    %swap3A = arith.constant 0 : index
    %swap3A_25 = tpu.vector_load %arg5[%swap3A] {strides = array<i32>} : memref<16xi32, #tpu.memory_space<vmem>>, vector<16xi32>,
    %swap3A_26 = vector.shape_cast %swap3A_25 : vector<16xi32> to vector<16xi32>
    %swap3A_27 = vector.shape_cast %add3A_24 : vector<16xi32> to vector<16xi32>
    tpu.vector_store %arg5[%swap3A], %swap3A_27 {strides = array<i32>} : memref<16xi32, #tpu.memory_space<vmem>>, vector<16xi32>,
    %dma_start3A = arith.constant 0 : i32
    %dma_start3A_28 = arith.constant 0 : i32
    %dma_start3A_29 = tpu.memref_slice %arg2[%dma_start3A, %dma_start3A_28] : memref<80000x128xf32, #tpu.memory_space<hbm>> -> memref<80000x128xf32, #tpu.memory_space<hbm>>
    tpu.enqueue_indirect_dma source(%dma_start3A_29 : memref<80000x128xf32, #tpu.memory_space<hbm>>) target(%arg6 : memref<16x128xf32, #tpu.memory_space<vmem>>) offsets(%arg5 : memref<16xi32, #tpu.memory_space<vmem>>) semaphore(%arg7 : memref<!tpu.dma_semaphore, #tpu.memory_space<semaphore_mem>>)
    %dma_wait3A = arith.constant 0 : i32
    %dma_wait3A_30 = arith.constant 0 : i32
    %dma_wait3A_31 = tpu.memref_slice %arg2[%dma_wait3A, %dma_wait3A_30] : memref<80000x128xf32, #tpu.memory_space<hbm>> -> memref<80000x128xf32, #tpu.memory_space<hbm>>
    tpu.wait_indirect_dma semaphore(%arg7 : memref<!tpu.dma_semaphore, #tpu.memory_space<semaphore_mem>>) src(%dma_wait3A_31 : memref<80000x128xf32, #tpu.memory_space<hbm>>) dst(%arg6 : memref<16x128xf32, #tpu.memory_space<vmem>>)
    "tpu.region"() ({
      %run_scoped3A = tpu.sem_alloc : memref<!tpu.dma_semaphore, #tpu.memory_space<semaphore_mem>>
      %dma_start3A_32 = arith.constant 0 : i32
      %dma_start3A_33 = tpu.memref_slice %arg4[%mul3A_2, %dma_start3A_32] : memref<512x128xf32, #tpu.memory_space<hbm>> -> memref<16x128xf32, #tpu.memory_space<hbm>>
      %dma_start3A_34 = arith.constant 0 : i32
      %dma_start3A_35 = tpu.memref_slice %arg4[%mul3A_2, %dma_start3A_34] : memref<512x128xf32, #tpu.memory_space<hbm>> -> memref<16x128xf32, #tpu.memory_space<hbm>>
      tpu.enqueue_dma source(%arg6 : memref<16x128xf32, #tpu.memory_space<vmem>>) target(%dma_start3A_35 : memref<16x128xf32, #tpu.memory_space<hbm>>) target_semaphore(%run_scoped3A : memref<!tpu.dma_semaphore, #tpu.memory_space<semaphore_mem>>)
      %dma_wait3A_36 = arith.constant 0 : i32
      %dma_wait3A_37 = tpu.memref_slice %arg4[%mul3A_2, %dma_wait3A_36] : memref<512x128xf32, #tpu.memory_space<hbm>> -> memref<16x128xf32, #tpu.memory_space<hbm>>
      %dma_wait3A_38 = arith.constant 0 : i32
      %dma_wait3A_39 = tpu.memref_slice %arg4[%mul3A_2, %dma_wait3A_38] : memref<512x128xf32, #tpu.memory_space<hbm>> -> memref<16x128xf32, #tpu.memory_space<hbm>>
      tpu.wait_dma2 semaphore(%run_scoped3A : memref<!tpu.dma_semaphore, #tpu.memory_space<semaphore_mem>>) src(%arg6 : memref<16x128xf32, #tpu.memory_space<vmem>>) dst(%dma_wait3A_39 : memref<16x128xf32, #tpu.memory_space<hbm>>)
      tpu.yield
    }) : () -> ()
    return
  }
}

module attributes {stable_mosaic.version = 14 : i64} {
  func.func @_actor_body(%arg0: memref<512x128xf32, #tpu.memory_space<vmem>>, %arg1: memref<128x128xf32, #tpu.memory_space<vmem>>, %arg2: memref<1x128xf32, #tpu.memory_space<vmem>>, %arg3: memref<1x128xf32, #tpu.memory_space<vmem>>, %arg4: memref<1x128xf32, #tpu.memory_space<vmem>>, %arg5: memref<1x128xf32, #tpu.memory_space<vmem>>, %arg6: memref<1x1xf32, #tpu.memory_space<vmem>>, %arg7: memref<512x1xf32, #tpu.memory_space<vmem>>) attributes {dimension_semantics = [], scalar_prefetch = 0 : i64, scratch_operands = 0 : i64, tpu.core_type = #tpu.core_type<tc>} {
    %get3A = arith.constant 0 : index
    %get3A_0 = arith.constant 0 : index
    %get3A_1 = vector.load %arg0[%get3A, %get3A_0] : memref<512x128xf32, #tpu.memory_space<vmem>>, vector<512x128xf32>
    %get3A_2 = arith.constant 0 : index
    %get3A_3 = arith.constant 0 : index
    %get3A_4 = vector.load %arg1[%get3A_2, %get3A_3] : memref<128x128xf32, #tpu.memory_space<vmem>>, vector<128x128xf32>
    %dot_general3A = arith.constant dense<0.000000e+00> : vector<512x128xf32>
    %dot_general3A_5 = tpu.matmul %get3A_1, %get3A_4, %dot_general3A {dimension_numbers = #tpu.dot_dimension_numbers<[1], [0], [0], [1], [0, 0, 1, 1], [], []>, transpose_lhs_hint = false} : vector<512x128xf32>, vector<128x128xf32>, vector<512x128xf32> -> vector<512x128xf32>
    %get3A_6 = arith.constant 0 : index
    %get3A_7 = arith.constant 0 : index
    %get3A_8 = vector.load %arg2[%get3A_6, %get3A_7] : memref<1x128xf32, #tpu.memory_space<vmem>>, vector<1x128xf32>
    %add3A = vector.broadcast %get3A_8 : vector<1x128xf32> to vector<512x128xf32>
    %add3A_9 = arith.addf %dot_general3A_5, %add3A : vector<512x128xf32>
    %max3A = arith.constant 0.000000e+00 : f32
    %max3A_10 = vector.broadcast %max3A : f32 to vector<512x128xf32>
    %max3A_11 = arith.maximumf %add3A_9, %max3A_10 : vector<512x128xf32>
    %reduce_sum3A = arith.constant dense<0.000000e+00> : vector<512xf32>
    %reduce_sum3A_12 = vector.multi_reduction <add>, %max3A_11, %reduce_sum3A [1] : vector<512x128xf32> to vector<512xf32>
    %broadcast_in_dim3A = vector.shape_cast %reduce_sum3A_12 : vector<512xf32> to vector<512x1xf32>
    %div3A = arith.constant 1.280000e+02 : f32
    %div3A_13 = vector.broadcast %div3A : f32 to vector<512x1xf32>
    %div3A_14 = arith.divf %broadcast_in_dim3A, %div3A_13 : vector<512x1xf32>
    %sub3A = vector.broadcast %div3A_14 : vector<512x1xf32> to vector<512x128xf32>
    %sub3A_15 = arith.subf %max3A_11, %sub3A : vector<512x128xf32>
    %integer_pow3A = arith.mulf %sub3A_15, %sub3A_15 : vector<512x128xf32>
    %reduce_sum3A_16 = arith.constant dense<0.000000e+00> : vector<512xf32>
    %reduce_sum3A_17 = vector.multi_reduction <add>, %integer_pow3A, %reduce_sum3A_16 [1] : vector<512x128xf32> to vector<512xf32>
    %broadcast_in_dim3A_18 = vector.shape_cast %reduce_sum3A_17 : vector<512xf32> to vector<512x1xf32>
    %div3A_19 = arith.constant 1.280000e+02 : f32
    %div3A_20 = vector.broadcast %div3A_19 : f32 to vector<512x1xf32>
    %div3A_21 = arith.divf %broadcast_in_dim3A_18, %div3A_20 : vector<512x1xf32>
    %sub3A_22 = vector.broadcast %div3A_14 : vector<512x1xf32> to vector<512x128xf32>
    %sub3A_23 = arith.subf %max3A_11, %sub3A_22 : vector<512x128xf32>
    %add3A_24 = arith.constant 9.99999974E-6 : f32
    %add3A_25 = vector.broadcast %add3A_24 : f32 to vector<512x1xf32>
    %add3A_26 = arith.addf %div3A_21, %add3A_25 : vector<512x1xf32>
    %sqrt3A = math.sqrt %add3A_26 : vector<512x1xf32>
    %div3A_27 = vector.broadcast %sqrt3A : vector<512x1xf32> to vector<512x128xf32>
    %div3A_28 = arith.divf %sub3A_23, %div3A_27 : vector<512x128xf32>
    %get3A_29 = arith.constant 0 : index
    %get3A_30 = arith.constant 0 : index
    %get3A_31 = vector.load %arg3[%get3A_29, %get3A_30] : memref<1x128xf32, #tpu.memory_space<vmem>>, vector<1x128xf32>
    %mul3A = vector.broadcast %get3A_31 : vector<1x128xf32> to vector<512x128xf32>
    %mul3A_32 = arith.mulf %div3A_28, %mul3A : vector<512x128xf32>
    %get3A_33 = arith.constant 0 : index
    %get3A_34 = arith.constant 0 : index
    %get3A_35 = vector.load %arg4[%get3A_33, %get3A_34] : memref<1x128xf32, #tpu.memory_space<vmem>>, vector<1x128xf32>
    %add3A_36 = vector.broadcast %get3A_35 : vector<1x128xf32> to vector<512x128xf32>
    %add3A_37 = arith.addf %mul3A_32, %add3A_36 : vector<512x128xf32>
    %get3A_38 = arith.constant 0 : index
    %get3A_39 = arith.constant 0 : index
    %get3A_40 = vector.load %arg5[%get3A_38, %get3A_39] : memref<1x128xf32, #tpu.memory_space<vmem>>, vector<1x128xf32>
    %mul3A_41 = vector.broadcast %get3A_40 : vector<1x128xf32> to vector<512x128xf32>
    %mul3A_42 = arith.mulf %add3A_37, %mul3A_41 : vector<512x128xf32>
    %reduce_sum3A_43 = arith.constant dense<0.000000e+00> : vector<512xf32>
    %reduce_sum3A_44 = vector.multi_reduction <add>, %mul3A_42, %reduce_sum3A_43 [1] : vector<512x128xf32> to vector<512xf32>
    %broadcast_in_dim3A_45 = vector.shape_cast %reduce_sum3A_44 : vector<512xf32> to vector<512x1xf32>
    %get3A_46 = arith.constant 0 : index
    %get3A_47 = arith.constant 0 : index
    %get3A_48 = vector.load %arg6[%get3A_46, %get3A_47] : memref<1x1xf32, #tpu.memory_space<vmem>>, vector<1x1xf32>
    %get3A_49 = vector.extract %get3A_48[0, 0] : f32 from vector<1x1xf32>
    %add3A_50 = vector.broadcast %get3A_49 : f32 to vector<512x1xf32>
    %add3A_51 = arith.addf %broadcast_in_dim3A_45, %add3A_50 : vector<512x1xf32>
    %swap3A = arith.constant 0 : index
    %swap3A_52 = arith.constant 0 : index
    %swap3A_53 = vector.load %arg7[%swap3A, %swap3A_52] : memref<512x1xf32, #tpu.memory_space<vmem>>, vector<512x1xf32>
    tpu.vector_store %arg7[%swap3A, %swap3A_52], %add3A_51 {strides = array<i32>} : memref<512x1xf32, #tpu.memory_space<vmem>>, vector<512x1xf32>,
    return
  }
}

module attributes {stable_mosaic.version = 14 : i64} {
  func.func @_body(%arg0: i32, %arg1: i32, %arg2: memref<1x5000x128xf32, #tpu.memory_space<vmem>>, %arg3: memref<128x128xf32, #tpu.memory_space<vmem>>, %arg4: memref<1x128xf32, #tpu.memory_space<vmem>>, %arg5: memref<1x128xf32, #tpu.memory_space<vmem>>, %arg6: memref<1x1xf32, #tpu.memory_space<vmem>>, %arg7: memref<128x128xf32, #tpu.memory_space<vmem>>, %arg8: memref<1x128xf32, #tpu.memory_space<vmem>>, %arg9: memref<1x128xf32, #tpu.memory_space<vmem>>, %arg10: memref<1x1xf32, #tpu.memory_space<vmem>>, %arg11: memref<1x1x1xf32, #tpu.memory_space<vmem>>, %arg12: memref<1x1xf32, #tpu.memory_space<vmem>>, %arg13: memref<1x128xf32, #tpu.memory_space<vmem>>) attributes {dimension_semantics = [#tpu.dimension_semantics<arbitrary>, #tpu.dimension_semantics<arbitrary>], iteration_bounds = array<i64: 8, 2>, scalar_prefetch = 0 : i64, scratch_operands = 2 : i64, tpu.core_type = #tpu.core_type<tc>, window_params = [{transform_indices = @transform_0, window_bounds = array<i64: 1, 5000, 128>}, {pipeline_mode = #tpu.pipeline_mode<synchronous>, transform_indices = @transform_1, window_bounds = array<i64: 128, 128>}, {pipeline_mode = #tpu.pipeline_mode<synchronous>, transform_indices = @transform_2, window_bounds = array<i64: 1, 128>}, {pipeline_mode = #tpu.pipeline_mode<synchronous>, transform_indices = @transform_3, window_bounds = array<i64: 1, 128>}, {pipeline_mode = #tpu.pipeline_mode<synchronous>, transform_indices = @transform_4, window_bounds = array<i64: 1, 1>}, {pipeline_mode = #tpu.pipeline_mode<synchronous>, transform_indices = @transform_5, window_bounds = array<i64: 128, 128>}, {pipeline_mode = #tpu.pipeline_mode<synchronous>, transform_indices = @transform_6, window_bounds = array<i64: 1, 128>}, {pipeline_mode = #tpu.pipeline_mode<synchronous>, transform_indices = @transform_7, window_bounds = array<i64: 1, 128>}, {pipeline_mode = #tpu.pipeline_mode<synchronous>, transform_indices = @transform_8, window_bounds = array<i64: 1, 1>}, {transform_indices = @transform_9, window_bounds = array<i64: 1, 1, 1>}]} {
    %get3A = arith.constant 0 : index
    %get3A_0 = arith.constant 0 : index
    %get3A_1 = arith.constant 0 : index
    %get3A_2 = vector.load %arg2[%get3A, %get3A_0, %get3A_1] : memref<1x5000x128xf32, #tpu.memory_space<vmem>>, vector<1x5000x128xf32>
    %get3A_3 = vector.shape_cast %get3A_2 : vector<1x5000x128xf32> to vector<5000x128xf32>
    %get3A_4 = arith.constant 0 : index
    %get3A_5 = arith.constant 0 : index
    %get3A_6 = vector.load %arg3[%get3A_4, %get3A_5] : memref<128x128xf32, #tpu.memory_space<vmem>>, vector<128x128xf32>
    %dot_general3A = arith.constant dense<0.000000e+00> : vector<5000x128xf32>
    %dot_general3A_7 = tpu.matmul %get3A_3, %get3A_6, %dot_general3A {dimension_numbers = #tpu.dot_dimension_numbers<[1], [0], [0], [1], [0, 0, 1, 1], [], []>, transpose_lhs_hint = false} : vector<5000x128xf32>, vector<128x128xf32>, vector<5000x128xf32> -> vector<5000x128xf32>
    %get3A_8 = arith.constant 0 : index
    %get3A_9 = arith.constant 0 : index
    %get3A_10 = vector.load %arg4[%get3A_8, %get3A_9] : memref<1x128xf32, #tpu.memory_space<vmem>>, vector<1x128xf32>
    %add3A = vector.broadcast %get3A_10 : vector<1x128xf32> to vector<5000x128xf32>
    %add3A_11 = arith.addf %dot_general3A_7, %add3A : vector<5000x128xf32>
    %max3A = arith.constant 0.000000e+00 : f32
    %max3A_12 = vector.broadcast %max3A : f32 to vector<5000x128xf32>
    %max3A_13 = arith.maximumf %add3A_11, %max3A_12 : vector<5000x128xf32>
    %get3A_14 = arith.constant 0 : index
    %get3A_15 = arith.constant 0 : index
    %get3A_16 = vector.load %arg5[%get3A_14, %get3A_15] : memref<1x128xf32, #tpu.memory_space<vmem>>, vector<1x128xf32>
    %mul3A = vector.broadcast %get3A_16 : vector<1x128xf32> to vector<5000x128xf32>
    %mul3A_17 = arith.mulf %max3A_13, %mul3A : vector<5000x128xf32>
    %reduce_sum3A = arith.constant dense<0.000000e+00> : vector<5000xf32>
    %reduce_sum3A_18 = vector.multi_reduction <add>, %mul3A_17, %reduce_sum3A [1] : vector<5000x128xf32> to vector<5000xf32>
    %broadcast_in_dim3A = vector.shape_cast %reduce_sum3A_18 : vector<5000xf32> to vector<5000x1xf32>
    %get3A_19 = arith.constant 0 : index
    %get3A_20 = arith.constant 0 : index
    %get3A_21 = vector.load %arg6[%get3A_19, %get3A_20] : memref<1x1xf32, #tpu.memory_space<vmem>>, vector<1x1xf32>
    %get3A_22 = vector.extract %get3A_21[0, 0] : f32 from vector<1x1xf32>
    %add3A_23 = vector.broadcast %get3A_22 : f32 to vector<5000x1xf32>
    %add3A_24 = arith.addf %broadcast_in_dim3A, %add3A_23 : vector<5000x1xf32>
    %exp3A = math.exp %add3A_24 : vector<5000x1xf32>
    %reduce_sum3A_25 = vector.shape_cast %exp3A : vector<5000x1xf32> to vector<1x5000x1xf32>
    %reduce_sum3A_26 = arith.constant dense<0.000000e+00> : vector<1xf32>
    %reduce_sum3A_27 = vector.multi_reduction <add>, %reduce_sum3A_25, %reduce_sum3A_26 [1, 2] : vector<1x5000x1xf32> to vector<1xf32>
    %reduce_sum3A_28 = vector.shape_cast %reduce_sum3A_27 : vector<1xf32> to vector<1x1x1xf32>
    %reduce_sum3A_29 = vector.extract %reduce_sum3A_28[0, 0, 0] : f32 from vector<1x1x1xf32>
    %broadcast_in_dim3A_30 = vector.broadcast %reduce_sum3A_29 : f32 to vector<1x1xf32>
    %mul3A_31 = vector.broadcast %exp3A : vector<5000x1xf32> to vector<5000x128xf32>
    %mul3A_32 = arith.mulf %mul3A_31, %max3A_13 : vector<5000x128xf32>
    %reduce_sum3A_33 = arith.constant dense<0.000000e+00> : vector<128xf32>
    %reduce_sum3A_34 = vector.multi_reduction <add>, %mul3A_32, %reduce_sum3A_33 [0] : vector<5000x128xf32> to vector<128xf32>
    %broadcast_in_dim3A_35 = vector.shape_cast %reduce_sum3A_34 : vector<128xf32> to vector<1x128xf32>
    %eq3A = arith.constant 0 : i32
    %eq3A_36 = arith.cmpi eq, %arg1, %eq3A : i32
    %convert_element_type3A = arith.extui %eq3A_36 : i1 to i32
    %cond3A = arith.constant 0 : i32
    %cond3A_37 = arith.cmpi ne, %convert_element_type3A, %cond3A : i32
    scf.if %cond3A_37 {
      %swap3A = arith.constant 0 : index
      %swap3A_47 = arith.constant 0 : index
      %swap3A_48 = vector.load %arg12[%swap3A, %swap3A_47] : memref<1x1xf32, #tpu.memory_space<vmem>>, vector<1x1xf32>
      tpu.vector_store %arg12[%swap3A, %swap3A_47], %broadcast_in_dim3A_30 {strides = array<i32>} : memref<1x1xf32, #tpu.memory_space<vmem>>, vector<1x1xf32>,
      %swap3A_49 = arith.constant 0 : index
      %swap3A_50 = arith.constant 0 : index
      %swap3A_51 = vector.load %arg13[%swap3A_49, %swap3A_50] : memref<1x128xf32, #tpu.memory_space<vmem>>, vector<1x128xf32>
      tpu.vector_store %arg13[%swap3A_49, %swap3A_50], %broadcast_in_dim3A_35 {strides = array<i32>} : memref<1x128xf32, #tpu.memory_space<vmem>>, vector<1x128xf32>,
    } else {
    }
    %gt3A = arith.constant 0 : i32
    %gt3A_38 = arith.cmpi sgt, %arg1, %gt3A : i32
    %convert_element_type3A_39 = arith.extui %gt3A_38 : i1 to i32
    %cond3A_40 = arith.constant 0 : i32
    %cond3A_41 = arith.cmpi ne, %convert_element_type3A_39, %cond3A_40 : i32
    scf.if %cond3A_41 {
      %get3A_47 = arith.constant 0 : index
      %get3A_48 = arith.constant 0 : index
      %get3A_49 = vector.load %arg12[%get3A_47, %get3A_48] : memref<1x1xf32, #tpu.memory_space<vmem>>, vector<1x1xf32>
      %add3A_50 = arith.addf %get3A_49, %broadcast_in_dim3A_30 : vector<1x1xf32>
      %swap3A = arith.constant 0 : index
      %swap3A_51 = arith.constant 0 : index
      %swap3A_52 = vector.load %arg12[%swap3A, %swap3A_51] : memref<1x1xf32, #tpu.memory_space<vmem>>, vector<1x1xf32>
      tpu.vector_store %arg12[%swap3A, %swap3A_51], %add3A_50 {strides = array<i32>} : memref<1x1xf32, #tpu.memory_space<vmem>>, vector<1x1xf32>,
      %get3A_53 = arith.constant 0 : index
      %get3A_54 = arith.constant 0 : index
      %get3A_55 = vector.load %arg13[%get3A_53, %get3A_54] : memref<1x128xf32, #tpu.memory_space<vmem>>, vector<1x128xf32>
      %add3A_56 = arith.addf %get3A_55, %broadcast_in_dim3A_35 : vector<1x128xf32>
      %swap3A_57 = arith.constant 0 : index
      %swap3A_58 = arith.constant 0 : index
      %swap3A_59 = vector.load %arg13[%swap3A_57, %swap3A_58] : memref<1x128xf32, #tpu.memory_space<vmem>>, vector<1x128xf32>
      tpu.vector_store %arg13[%swap3A_57, %swap3A_58], %add3A_56 {strides = array<i32>} : memref<1x128xf32, #tpu.memory_space<vmem>>, vector<1x128xf32>,
    } else {
    }
    %eq3A_42 = arith.constant 1 : i32
    %eq3A_43 = arith.cmpi eq, %arg1, %eq3A_42 : i32
    %convert_element_type3A_44 = arith.extui %eq3A_43 : i1 to i32
    %cond3A_45 = arith.constant 0 : i32
    %cond3A_46 = arith.cmpi ne, %convert_element_type3A_44, %cond3A_45 : i32
    scf.if %cond3A_46 {
      %get3A_47 = arith.constant 0 : index
      %get3A_48 = arith.constant 0 : index
      %get3A_49 = vector.load %arg13[%get3A_47, %get3A_48] : memref<1x128xf32, #tpu.memory_space<vmem>>, vector<1x128xf32>
      %get3A_50 = arith.constant 0 : index
      %get3A_51 = arith.constant 0 : index
      %get3A_52 = vector.load %arg12[%get3A_50, %get3A_51] : memref<1x1xf32, #tpu.memory_space<vmem>>, vector<1x1xf32>
      %div3A = vector.broadcast %get3A_52 : vector<1x1xf32> to vector<1x128xf32>
      %div3A_53 = arith.divf %get3A_49, %div3A : vector<1x128xf32>
      %get3A_54 = arith.constant 0 : index
      %get3A_55 = arith.constant 0 : index
      %get3A_56 = vector.load %arg7[%get3A_54, %get3A_55] : memref<128x128xf32, #tpu.memory_space<vmem>>, vector<128x128xf32>
      %dot_general3A_57 = arith.constant dense<0.000000e+00> : vector<1x128xf32>
      %dot_general3A_58 = tpu.matmul %div3A_53, %get3A_56, %dot_general3A_57 {dimension_numbers = #tpu.dot_dimension_numbers<[1], [0], [0], [1], [0, 0, 1, 1], [], []>, transpose_lhs_hint = false} : vector<1x128xf32>, vector<128x128xf32>, vector<1x128xf32> -> vector<1x128xf32>
      %get3A_59 = arith.constant 0 : index
      %get3A_60 = arith.constant 0 : index
      %get3A_61 = vector.load %arg8[%get3A_59, %get3A_60] : memref<1x128xf32, #tpu.memory_space<vmem>>, vector<1x128xf32>
      %add3A_62 = arith.addf %dot_general3A_58, %get3A_61 : vector<1x128xf32>
      %max3A_63 = arith.constant 0.000000e+00 : f32
      %max3A_64 = vector.broadcast %max3A_63 : f32 to vector<1x128xf32>
      %max3A_65 = arith.maximumf %add3A_62, %max3A_64 : vector<1x128xf32>
      %get3A_66 = arith.constant 0 : index
      %get3A_67 = arith.constant 0 : index
      %get3A_68 = vector.load %arg9[%get3A_66, %get3A_67] : memref<1x128xf32, #tpu.memory_space<vmem>>, vector<1x128xf32>
      %mul3A_69 = arith.mulf %max3A_65, %get3A_68 : vector<1x128xf32>
      %reduce_sum3A_70 = arith.constant dense<0.000000e+00> : vector<1xf32>
      %reduce_sum3A_71 = vector.multi_reduction <add>, %mul3A_69, %reduce_sum3A_70 [1] : vector<1x128xf32> to vector<1xf32>
      %broadcast_in_dim3A_72 = vector.shape_cast %reduce_sum3A_71 : vector<1xf32> to vector<1x1xf32>
      %get3A_73 = arith.constant 0 : index
      %get3A_74 = arith.constant 0 : index
      %get3A_75 = vector.load %arg10[%get3A_73, %get3A_74] : memref<1x1xf32, #tpu.memory_space<vmem>>, vector<1x1xf32>
      %add3A_76 = arith.addf %broadcast_in_dim3A_72, %get3A_75 : vector<1x1xf32>
      %swap3A = arith.constant 0 : index
      %swap3A_77 = arith.constant 0 : index
      %swap3A_78 = arith.constant 0 : index
      %swap3A_79 = vector.load %arg11[%swap3A, %swap3A_77, %swap3A_78] : memref<1x1x1xf32, #tpu.memory_space<vmem>>, vector<1x1x1xf32>
      %swap3A_80 = vector.shape_cast %swap3A_79 : vector<1x1x1xf32> to vector<1x1xf32>
      %swap3A_81 = vector.shape_cast %add3A_76 : vector<1x1xf32> to vector<1x1x1xf32>
      tpu.vector_store %arg11[%swap3A, %swap3A_77, %swap3A_78], %swap3A_81 {strides = array<i32>} : memref<1x1x1xf32, #tpu.memory_space<vmem>>, vector<1x1x1xf32>,
    } else {
    }
    return
  }
  func.func @transform_0(%arg0: i32, %arg1: i32) -> (i32, i32, i32) {
    %c0_i32 = arith.constant 0 : i32
    %c0_i32_0 = arith.constant 0 : i32
    return %arg0, %arg1, %c0_i32 : i32, i32, i32
  }
  func.func @transform_1(%arg0: i32, %arg1: i32) -> (i32, i32) {
    %c0_i32 = arith.constant 0 : i32
    %c0_i32_0 = arith.constant 0 : i32
    %c0_i32_1 = arith.constant 0 : i32
    return %c0_i32, %c0_i32_0 : i32, i32
  }
  func.func @transform_2(%arg0: i32, %arg1: i32) -> (i32, i32) {
    %c0_i32 = arith.constant 0 : i32
    %c0_i32_0 = arith.constant 0 : i32
    %c0_i32_1 = arith.constant 0 : i32
    return %c0_i32, %c0_i32_0 : i32, i32
  }
  func.func @transform_3(%arg0: i32, %arg1: i32) -> (i32, i32) {
    %c0_i32 = arith.constant 0 : i32
    %c0_i32_0 = arith.constant 0 : i32
    %c0_i32_1 = arith.constant 0 : i32
    return %c0_i32, %c0_i32_0 : i32, i32
  }
  func.func @transform_4(%arg0: i32, %arg1: i32) -> (i32, i32) {
    %c0_i32 = arith.constant 0 : i32
    %c0_i32_0 = arith.constant 0 : i32
    %c0_i32_1 = arith.constant 0 : i32
    return %c0_i32, %c0_i32_0 : i32, i32
  }
  func.func @transform_5(%arg0: i32, %arg1: i32) -> (i32, i32) {
    %c0_i32 = arith.constant 0 : i32
    %c0_i32_0 = arith.constant 0 : i32
    %c0_i32_1 = arith.constant 0 : i32
    return %c0_i32, %c0_i32_0 : i32, i32
  }
  func.func @transform_6(%arg0: i32, %arg1: i32) -> (i32, i32) {
    %c0_i32 = arith.constant 0 : i32
    %c0_i32_0 = arith.constant 0 : i32
    %c0_i32_1 = arith.constant 0 : i32
    return %c0_i32, %c0_i32_0 : i32, i32
  }
  func.func @transform_7(%arg0: i32, %arg1: i32) -> (i32, i32) {
    %c0_i32 = arith.constant 0 : i32
    %c0_i32_0 = arith.constant 0 : i32
    %c0_i32_1 = arith.constant 0 : i32
    return %c0_i32, %c0_i32_0 : i32, i32
  }
  func.func @transform_8(%arg0: i32, %arg1: i32) -> (i32, i32) {
    %c0_i32 = arith.constant 0 : i32
    %c0_i32_0 = arith.constant 0 : i32
    %c0_i32_1 = arith.constant 0 : i32
    return %c0_i32, %c0_i32_0 : i32, i32
  }
  func.func @transform_9(%arg0: i32, %arg1: i32) -> (i32, i32, i32) {
    %c0_i32 = arith.constant 0 : i32
    %c0_i32_0 = arith.constant 0 : i32
    %c0_i32_1 = arith.constant 0 : i32
    return %arg0, %c0_i32, %c0_i32_0 : i32, i32, i32
  }
}

</mosaic_0001>

<sc_bundles>
// kernel: kernel.5.cloned.1.call-start
scs
__scs_entry_jumppad:
0x0: {  	(pc) =	sbr.rel $0x88, $3  }
0x1: {  	(tag) =	ssettag $0x0;
	lr =	simm.s32 $0x1  }
0x2: {  	[smem:$0x3F91] =	sst lr;
	_ =	strace $0xD0000000  }
0x3: {  	_ = 	snop  }
0x4: {  	_ = 	snop  }
0x5: {  	_ = 	snop  }
0x6: {  	_ = 	snop  }
0x7: {  	_ = 	snop  }
__scs_overlays_trampoline_lowered:
0x8: {  	[smem:$0x3FA0] =	sst s0  }
0x9: {  	[smem:$0x3FA1] =	sst s1  }
0xa: {  	[smem:$0x3FA2] =	sst s2  }
0xb: {  	[smem:$0x3FA3] =	sst s3  }
0xc: {  	[smem:$0x3FA4] =	sst s4  }
0xd: {  	[smem:$0x3FA5] =	sst s5  }
0xe: {  	[smem:$0x3FA6] =	sst s6  }
0xf: {  	[smem:$0x3FA7] =	sst s7  }
0x10: {  	[smem:$0x3FA8] =	sst s8  }
0x11: {  	[smem:$0x3FA9] =	sst s9;
	s0 =	simm.s32 @!p0 $0x0  }
0x12: {  	s1 =	sld [smem:$0x3F8F];
	s0 =	simm.s32 @p0 $0x1  }
0x13: {  	[smem:$0x3FAA] =	sst s0;
	s0 =	simm.s32 @!p1 $0x0  }
0x14: {  	s2 =	sld [smem:$0x3F8E];
	s0 =	simm.s32 @p1 $0x1  }
0x15: {  	[smem:$0x3FAB] =	sst s0;
	s0 =	simm.s32 @!p2 $0x0  }
0x16: {  	s3 =	sld [smem:$0x3FDB];
	s0 =	simm.s32 @p2 $0x1  }
0x17: {  	s4 =	simm.s32 $0x1BF5;
	[smem:$0x3FAD] =	sst s0  }
0x18: {  	s0 =	sld [smem:$0x3F90];
	_ =	swait.ge [sflag:s4], $0x0  }
0x19: {  	s7 =	sld [smem:$0x3F91]  }
0x1a: {  	s8 =	sadd.s32 $0xFFFFE003, lr  }
0x1b: {  	s9 =	sadd.s32 $0xFFFFFEF7, lr;
	s5 =	simm.s32 $0xFFFFFFFF;
	p2 =	slt.u32 s8, $0xFFFFF086  }
0x1c: {  	p1 =	slt.u32 s9, $0xF7A;
	s5 =	simm.s32 @!p2 $0x0  }
0x1d: {  	s5 =	simm.s32 @p1 $0x1;
	p0 =	seq.s32 s7, s2  }
0x1e: {  	s7 =	smul.u32 @!p0 $0xF7A, s2;
	p2 =	seq.s32 @!p0 s5, $0x0  }
0x1f: {  	s9 =	smul.u32 $0xF7A, s1;
	s8 =	simm.s32 @!p0 $0x1BF5;
	p2 =	por !p2, p0  }
0x20: {  	[sflag:s8] =	ssyncset.s32 @!p0 $0xFFFFF086;
	s6 =	sadd.s32 @!p0 s3, s7;
	s7 =	simm.s32 @!p0 $0x108  }
0x21: {  	s3 =	sadd.s32 s3, s9;
	s6 =	sadd.s32 @!p0 $0x88, s6;
	s7 =	simm.s32 @p2 $0x1082  }
0x22: {  	[simem:s7], [sflag:s8] =	dma.local @!p0 [hbm:s6], $0xF7A  }
0x23: {  	s9 =	sor.u32 $0xD0000000, s2;
	s6 =	simm.s32 $0x108;
	_ =	swait.ge @!p0 [sflag:s8], $0x0  }
0x24: {  	s3 =	sadd.s32 $0x88, s3;
	s6 =	simm.s32 @!p1 $0x1082;
	[sflag:s4] =	ssyncset.s32 $0xFFFFF086  }
0x25: {  	[simem:s6], [sflag:s4] =	dma.local [hbm:s3], $0xF7A  }
0x26: {  	[smem:$0x3F91] =	sst s1;
	(tag) =	ssettag s2;
	_ =	strace s9  }
0x27: {  	s1 =	sld [smem:$0x3FA1]  }
0x28: {  	s2 =	sld [smem:$0x3FA2]  }
0x29: {  	s4 =	sld [smem:$0x3FA4]  }
0x2a: {  	p0 =	seq.s32 s5, $0x0;
	s5 =	sld [smem:$0x3FA5]  }
0x2b: {  	s6 =	sld [smem:$0x3FA6]  }
0x2c: {  	s7 =	sld [smem:$0x3FA7]  }
0x2d: {  	s3 =	simm.s32 $0x108;
	s8 =	sld [smem:$0x3FA8]  }
0x2e: {  	s3 =	simm.s32 @!p0 $0x1082;
	s9 =	sld [smem:$0x3FA9]  }
0x2f: {  	lr =	sadd.s32 s0, s3;
	s0 =	sld [smem:$0x3FA0]  }
0x30: {  	s3 =	sld [smem:$0x3FA3]  }
0x31: {  	[smem:$0x3FAC] =	sst s10  }
0x32: {  	s10 =	sld [smem:$0x3FAA];
	_ =	sdelay $0x3  }
0x33: {  	p0 =	seq.s32 s10, $0x1;
	s10 =	sld [smem:$0x3FAC];
	_ =	sdelay $0x3  }
0x34: {  	[smem:$0x3FAC] =	sst s10  }
0x35: {  	s10 =	sld [smem:$0x3FAB];
	_ =	sdelay $0x3  }
0x36: {  	p1 =	seq.s32 s10, $0x1;
	s10 =	sld [smem:$0x3FAC];
	_ =	sdelay $0x3  }
0x37: {  	[smem:$0x3FAC] =	sst s10  }
0x38: {  	s10 =	sld [smem:$0x3FAD]  }
0x39: {  	_ = 	snop;
	(pc) =	sbr.ind lr, $3  }
0x3a: {  	_ = 	snop  }
0x3b: {  	_ = 	snop  }
0x3c: {  	p2 =	seq.s32 s10, $0x1;
	s10 =	sld [smem:$0x3FAC]  }
0x3d: {  	_ =	shalt  }
0x3e: {  	_ =	shalt  }
0x3f: {  	_ =	shalt  }
0x40: {  	_ =	shalt  }
0x41: {  	_ =	shalt  }
0x42: {  	_ =	shalt  }
0x43: {  	_ =	shalt  }
0x44: {  	_ =	shalt  }
0x45: {  	_ =	shalt  }
0x46: {  	_ =	shalt  }
0x47: {  	_ =	shalt  }
0x48: {  	_ =	shalt  }
0x49: {  	_ =	shalt  }
0x4a: {  	_ =	shalt  }
0x4b: {  	_ =	shalt  }
0x4c: {  	_ =	shalt  }
0x4d: {  	_ =	shalt  }
0x4e: {  	_ =	shalt  }
0x4f: {  	_ =	shalt  }
0x50: {  	_ =	shalt  }
0x51: {  	_ =	shalt  }
0x52: {  	_ =	shalt  }
0x53: {  	_ =	shalt  }
0x54: {  	_ =	shalt  }
0x55: {  	_ =	shalt  }
0x56: {  	_ =	shalt  }
0x57: {  	_ =	shalt  }
0x58: {  	_ =	shalt  }
0x59: {  	_ =	shalt  }
0x5a: {  	_ =	shalt  }
0x5b: {  	_ =	shalt  }
0x5c: {  	_ =	shalt  }
0x5d: {  	_ =	shalt  }
0x5e: {  	_ =	shalt  }
0x5f: {  	_ =	shalt  }
0x60: {  	_ =	shalt  }
0x61: {  	_ =	shalt  }
0x62: {  	_ =	shalt  }
0x63: {  	_ =	shalt  }
0x64: {  	_ =	shalt  }
0x65: {  	_ =	shalt  }
0x66: {  	_ =	shalt  }
0x67: {  	_ =	shalt  }
0x68: {  	_ =	shalt  }
0x69: {  	_ =	shalt  }
0x6a: {  	_ =	shalt  }
0x6b: {  	_ =	shalt  }
0x6c: {  	_ =	shalt  }
0x6d: {  	_ =	shalt  }
0x6e: {  	_ =	shalt  }
0x6f: {  	_ =	shalt  }
0x70: {  	_ =	shalt  }
0x71: {  	_ =	shalt  }
0x72: {  	_ =	shalt  }
0x73: {  	_ =	shalt  }
0x74: {  	_ =	shalt  }
0x75: {  	_ =	shalt  }
0x76: {  	_ =	shalt  }
0x77: {  	_ =	shalt  }
0x78: {  	_ =	shalt  }
0x79: {  	_ =	shalt  }
0x7a: {  	_ =	shalt  }
0x7b: {  	_ =	shalt  }
0x7c: {  	_ =	shalt  }
0x7d: {  	_ =	shalt  }
0x7e: {  	_ =	shalt  }
0x7f: {  	_ =	shalt  }
0x80: {  	_ =	shalt  }
0x81: {  	_ =	shalt  }
0x82: {  	_ =	shalt  }
0x83: {  	_ =	shalt  }
0x84: {  	_ =	shalt  }
0x85: {  	_ =	shalt  }
0x86: {  	_ =	shalt  }
0x87: {  	_ =	shalt  }
.Lfunc_end0:
.L_simem_size_0:
called_computation_lowered:
.L_overlay_start_0:
0x88: {  	s2 =	sld [smem:$0x3FD9]  }
0x89: {  	s3 =	sld [smem:$0x3FFE];
	_ =	sdelay $0x1  }
0x8a: {  	s1 =	srdreg.scid  }
0x8b: {  	s0 =	sand.u32 $0x1, s1  }
0x8c: {  	s14 =	sshll.u32 s0, $0xA;
	s2 =	sadd.s32 s3, s2  }
0x8d: {  	s2 =	sadd.s32 s2, s14  }
0x8e: {  	[smem:$0x3FB8] =	sst s2  }
0x8f: {  	_ = 	snop  }
0x90: {  	s2 =	sld [smem:$0x3FD0];
	_ =	sdelay $0x2  }
0x91: {  	s4 =	simm.s32 $0xA;
	s5 =	simm.s32 $0x10;
	s15 =	sld [smem:$0x3FC9]  }
0x92: {  	[smem:s5], [sflag:s4] =	dma.local [hbm:s2], $0x1  }
0x93: {  	_ =	swait.eq [sflag:s4], $0x1  }
0x94: {  	[sflag:s4] =	ssyncset.done $0x0  }
0x95: {  	[sflag:s4] =	ssyncadd.s32 $0xFFFFFFFF  }
0x96: {  	s16 =	sld [smem:$0x10];
	(tm) =	ssettm $0x1  }
0x97: {  	s17 =	sld [smem:$0x3FFB];
	_ =	sdelay $0x3  }
0x98: {  	_ =	strace s17  }
0x99: {  	s4 =	sld [smem:$0x3FFC];
	_ =	sdelay $0x3  }
0x9a: {  	_ =	strace s4  }
0x9b: {  	s4 =	sld [smem:$0x3FFD];
	_ =	sdelay $0x3  }
0x9c: {  	_ =	strace s4  }
0x9d: {  	_ =	strace $0x8FFFFFFF  }
0x9e: {  	s18 =	sld [smem:$0x3FDB];
	_ =	sdelay $0x1  }
0x9f: {  	s19 =	simm.s32 $_scs_section_size  }
0xa0: {  	s6 =	simm.s32 $_size__tile_overlayer_lowered;
	s7 =	simm.s32 $_tile_overlayer_lowered  }
0xa1: {  	s22 =	simm.s32 $0x1BFF;
	s21 =	sshll.u32 s7, $0x1;
	s4 =	sadd.s32 s19, s18  }
0xa2: {  	s8 =	simm.s32 $0x0;
	s20 =	sshll.u32 s6, $0x1;
	s6 =	sadd.s32 s21, s4  }
0xa3: {  	[timem:s8], [sflag:s22] =	dma.local [hbm:s6], s20  }
0xa4: {  	_ =	swait.ge [sflag:s22], s20  }
0xa5: {  	s5 =	ssub.s32 $0x0, s20;
	[sflag:s22] =	ssyncset.done $0x0  }
0xa6: {  	[sflag:s22] =	ssyncadd.s32 s5;
	_ =	sdelay $0x1  }
0xa7: {  	s23 =	simm.s32 $0x1B8B  }
0xa8: {  	_ =	swait.ge [sflag:s23], $0x1  }
0xa9: {  	[sflag:s23] =	ssyncset.done $0x0  }
0xaa: {  	s25 =	simm.s32 $0x1B8E;
	s24 =	sld [smem:$0x3FFE];
	[sflag:s23] =	ssyncadd.s32 $0xFFFFFFFF  }
0xab: {  	s26 =	simm.s32 $execute0_lowered;
	[smem:$0x3FD2] =	sst s25  }
0xac: {  	s6 =	sshll.u32 s26, $0x1;
	_ =	strace $0x80000046;
	[dreg:$0x1] =	wrdreg $0xFFFFFFFF  }
0xad: {  	s28 =	simm.s32 $_size_execute0_lowered;
	s4 =	sadd.s32 s4, s6;
	[dreg:$0x0] =	wrdreg $0x0  }
0xae: {  	s6 =	sshll.u32 s28, $0x1;
	[dreg:$0x2] =	wrdreg s4  }
0xaf: {  	[dreg:$0x3] =	wrdreg s6  }
0xb0: {  	[dreg:$0x4] =	wrdreg $0xC0  }
0xb1: {  	_ =	task [dreg:s8], $0x5FFFF  }
0xb2: {  	[dreg:$0x1] =	wrdreg $0xFFFFFFFF  }
0xb3: {  	[dreg:$0x0] =	wrdreg $0x60  }
0xb4: {  	[dreg:$0x2] =	wrdreg s15  }
0xb5: {  	[dreg:$0x3] =	wrdreg s16  }
0xb6: {  	[dreg:$0x4] =	wrdreg s24  }
0xb7: {  	[dreg:$0x5] =	wrdreg $0x9  }
0xb8: {  	_ =	task.clear_ibuf [dreg:s8], $0x6FFFF;
	_ =	strace $0x90000046  }
0xb9: {  	s29 =	simm.s32 $0x9;
	_ =	strace $0x80000048  }
0xba: {  	_ =	swait.ge [sflag:s29], $0x1  }
0xbb: {  	[sflag:s29] =	ssyncadd.s32 $0xFFFFFFFF  }
0xbc: {  	_ =	strace $0x90000048  }
0xbd: {  	_ =	sfence  }
0xbe: {  	s30 =	sld [smem:$0x0];
	_ =	sdelay $0x2  }
0xbf: {  	s31 =	sshll.u32 s1, $0xD;
	s1 =	sshrl.u32 s1, $0x2  }
0xc0: {  	s3 =	sand.u32 $0x4000, s31;
	s1 =	sadd.s32 s1, s30  }
0xc1: {  	s0 =	sor.u32 s3, s0;
	s1 =	sshll.u32 s1, $0x11  }
0xc2: {  	s0 =	sor.u32 s1, s0  }
0xc3: {  	s0 =	sadd.s32 $0x8F2B, s0  }
0xc4: {  	[sflag:s0] =	ssyncadd.remote.s32 $0x1  }
0xc5: {  	_ =	sfence.sel $0xFFFF  }
0xc6: {  	[dreg:$0x0] =	wrdreg $0xFFFFFFFF;
	(pc) =	sbr.abs _section_cstart, $3  }
0xc7: {  	[dreg:$0x1] =	wrdreg $0xFFFFFFFF  }
0xc8: {  	_ =	task.clear_ibuf [dreg:s8], $0x2FFFF;
	_ =	strace $0x9FFFFFFF  }
0xc9: {  	(tm) =	ssettm $0x7FFFFFFF  }
tec
execute0_lowered:
.L_overlay_start_1:
0x0: {  	(tag) =	ssettag $0x1  }
0x1: {  	s1 =	rddreg [dreg:$0x0];
	s2 =	srdreg.scid  }
0x2: {  	s4 =	rddreg [dreg:$0x1];
	s0 =	stileid.u32;
	s6 =	sand.u32 $0x1, s2  }
0x3: {  	s9 =	rddreg [dreg:$0x2];
	s5 =	sshll.u32 s0, $0x5;
	s7 =	sshll.u32 s6, $0x4  }
0x4: {  	s3 =	simm.s32 $0x0;
	s2 =	rddreg [dreg:$0x3];
	s10 =	sor.u32 s7, s5  }
0x5: {  	[smem:$0x7FF] =	sst s3;
	s5 =	sshrl.u32 s10, $0x3  }
0x6: {  	_ =	strace $0x80000047;
	s5 =	sadd.s32 s4, s5;
	s4 =	simm.s32 $0x2  }
0x7: {  	[tilespmem:s3], [sflag:$0x2] =	stream.linear.gather [hbm4b:s5+s3], $0x10, $0x38;
	[tilespmem:$0x880] =	vst v63  }
0x8: {  	_ =	swait.ge [sflag:s4], $0x10  }
0x9: {  	[sflag:s4] =	ssyncset.done $0x0  }
0xa: {  	[sflag:s4] =	ssyncadd.s32 $0xFFFFFFF0  }
0xb: {  	v1 =	vld [tilespmem:$0x0]  }
0xc: {  	s30 =	sshrl.u32 s0, $0x1  }
0xd: {  	s7 =	smul.u32 $0x2710, s30  }
0xe: {  	s11 =	ssub.s32 $0x2, s6  }
0xf: {  	s8 =	simm.s32 $0x1;
	s12 =	sshrl.u32 s11, $0x1;
	v0 =	vmov s7  }
0x10: {  	s6 =	simm.s32 $0x10;
	s10 =	sshll.u32 s10, $0x4;
	s31 =	ssub.s32 s11, s12;
	v1 =	vadd.s32 v0, v1  }
0x11: {  	s7 =	simm.s32 $0x80;
	s9 =	sadd.s32 s10, s9;
	s10 =	smax.u32 s31, $0x1;
	[tilespmem:$0x0] =	vst v1  }
0x12: {  	[tilespmem:s7], [sflag:$0x1] =	stream.indirect.gather [hbm4b:s1+s6], $0x80, s3, s6, $0xb8;
	[tilespmem:$0x880] =	vst v63  }
0x13: {  	p0 =	sne.s32 s10, $0x1;
	_ =	swait.ge [sflag:s8], $0x800  }
.Ltmp0:
0x14: {  	[sflag:s8] =	ssyncset.done $0x0;
	(pc) =	sbr.rel @!p0 .LBB2_2-.Ltmp0, $4  }
0x15: {  	s9 =	sadd.s32 $0x1200, s9;
	[sflag:s8] =	ssyncadd.s32 $0xFFFFF800  }
0x16: {  	[hbm4b:s9+s3] =	stream.linear.scatter [tilespmem:s7], [sflag:$0x2], $0x800, $0x38;
	[tilespmem:$0x880] =	vst v63  }
0x17: {  	_ =	swait.ge [sflag:s4], $0x800  }
0x18: {  	s10 =	sadd.s32 $0xFFFFFFFF, s10;
	[sflag:s4] =	ssyncset.done $0x0  }
.LBB2_1:
0x19: {  	p0 =	sne.s32 s10, $0x1;
	s10 =	sadd.s32 $0xFFFFFFFF, s10;
	[sflag:s4] =	ssyncadd.s32 $0xFFFFF800  }
0x1a: {  	[tilespmem:s3], [sflag:$0x2] =	stream.linear.gather [hbm4b:s5+s3], $0x10, $0x38;
	[tilespmem:$0x880] =	vst v63  }
0x1b: {  	_ =	swait.ge [sflag:s4], $0x10  }
0x1c: {  	[sflag:s4] =	ssyncset.done $0x0  }
0x1d: {  	[sflag:s4] =	ssyncadd.s32 $0xFFFFFFF0  }
0x1e: {  	v1 =	vld [tilespmem:$0x0];
	_ =	sdelay $0x4  }
0x1f: {  	v1 =	vadd.s32 v0, v1  }
0x20: {  	[tilespmem:$0x0] =	vst v1  }
0x21: {  	[tilespmem:s7], [sflag:$0x1] =	stream.indirect.gather [hbm4b:s1+s6], $0x80, s3, s6, $0xb8;
	[tilespmem:$0x880] =	vst v63  }
0x22: {  	_ =	swait.ge [sflag:s8], $0x800  }
.Ltmp1:
0x23: {  	[sflag:s8] =	ssyncset.done $0x0;
	(pc) =	sbr.rel @p0 .LBB2_1-.Ltmp1, $4  }
0x24: {  	[sflag:s8] =	ssyncadd.s32 $0xFFFFF800  }
0x25: {  	[hbm4b:s9+s3] =	stream.linear.scatter [tilespmem:s7], [sflag:$0x2], $0x800, $0x38;
	[tilespmem:$0x880] =	vst v63  }
0x26: {  	_ =	swait.ge [sflag:s4], $0x800  }
0x27: {  	[sflag:s4] =	ssyncset.done $0x0  }
.LBB2_2:
0x28: {  	[sflag:s4] =	ssyncadd.s32 $0xFFFFF800  }
0x29: {  	_ =	sfence.sel $0x180000  }
0x2a: {  	[bflag:$0x0] =	sbarrier.arrive $0xFFFF  }
0x2b: {  	p0 =	sne.s32 s0, $0x0;
	_ =	strace $0x90000047  }
0x2c: {  	s0 =	sadd.s32 @!p0 $0x100000, s2;
	[bflag:$0x2] =	sbarrier.arrive $0xFFFF  }
0x2d: {  	[sflag:s0] =	ssyncadd.tile.s32 @!p0 $0x1;
	_ =	shalt  }
.Lfunc_end2:
_tile_overlayer_lowered:
.L_overlay_start_2:
0x2e: {  	(tag) =	ssettag $0x2  }
0x2f: {  	s0 =	rddreg [dreg:$0x0];
	s2 =	stileid.u32  }
0x30: {  	s1 =	rddreg [dreg:$0x1];
	p0 =	sne.s32 s2, $0x0  }
0x31: {  	s3 =	rddreg [dreg:$0x2];
	[bflag:$0x3] =	sbarrier.arrive $0xFFFF;
	s2 =	simm.s32 @!p0 $0x1C02  }
0x32: {  	[timem:s3], [sflag:s2] =	dma.local @!p0 [hbm:s0], s1  }
0x33: {  	s0 =	simm.s32 @!p0 $0x2  }
0x34: {  	_ =	swait.ge @!p0 [sflag:s0], s1  }
0x35: {  	s1 =	ssub.s32 @!p0 $0x0, s1;
	[sflag:s0] =	ssyncset.done @!p0 $0x0  }
0x36: {  	[sflag:s0] =	ssyncadd.s32 @!p0 s1  }
0x37: {  	[bflag:$0x3] =	sbarrier.arrive $0xFFFF  }
0x38: {  	_ =	shalt  }

</sc_bundles>
